<compile_context>
chip_gen: v7x
topology: tpu7x:2x2x1
jax: 0.10.2.dev20260603
libtpu: 0.0.44.dev20260713+nightly
codegen_flags: <defaults>
</compile_context>

<pallas_src>
import jax
import jax.numpy as jnp
from jax import lax
from jax.experimental import pallas as pl
from jax.experimental.pallas import tpu as pltpu
from jax.experimental.pallas import tpu_sc as plsc

NUM_ROWS = 1000001
DIM = 32
BATCH = 4096
N_P = 200
B_TOTAL = BATCH * N_P
NC, NS = 2, 16
NW = NC * NS
BLOCK = 1280
N_BLOCKS = B_TOTAL // (NW * BLOCK)
B_PER_W = N_BLOCKS * BLOCK
NBUF = 2
N_GROUPS = N_BLOCKS // NBUF

WCOLS = 2048
WGRID = -(-NUM_ROWS // WCOLS)
PBLK = 4


def _sc_body(idx_hbm, table_hbm, out_hbm, idx_v, *scratch):
    bufs = scratch[:NBUF]
    sems = scratch[NBUF:]
    wid = lax.axis_index("s") * NC + lax.axis_index("c")
    base = wid * B_PER_W
    pltpu.sync_copy(idx_hbm.at[wid], idx_v)

    for b in range(NBUF):
        pltpu.make_async_copy(table_hbm.at[idx_v.at[b]], bufs[b], sems[b]).start()

    def group(g):
        k0 = g * NBUF
        for b in range(NBUF):
            k = k0 + b
            pltpu.make_async_copy(
                table_hbm.at[pl.ds(0, BLOCK)], bufs[b], sems[b]
            ).wait()
            pltpu.sync_copy(bufs[b], out_hbm.at[pl.ds(base + k * BLOCK, BLOCK)])
            nxt = k + NBUF

            @pl.when(nxt < N_BLOCKS)
            def _():
                pltpu.make_async_copy(
                    table_hbm.at[idx_v.at[nxt]], bufs[b], sems[b]
                ).start()

    pl.loop(0, N_GROUPS)(group)


def _ot_body(x_ref, o_ref):
    o_ref[...] = x_ref[...].T.reshape(PBLK, DIM, BATCH)


@jax.jit
def _lookup(indices_blocked, table):
    mesh = plsc.VectorSubcoreMesh(core_axis_name="c", subcore_axis_name="s")
    flat = pl.kernel(
        _sc_body,
        out_type=jax.ShapeDtypeStruct((B_TOTAL, DIM), jnp.float32),
        mesh=mesh,
        scratch_types=[pltpu.VMEM((N_BLOCKS, BLOCK), jnp.int32)]
        + [pltpu.VMEM((BLOCK, DIM), jnp.float32) for _ in range(NBUF)]
        + [pltpu.SemaphoreType.DMA for _ in range(NBUF)],
        compiler_params=pltpu.CompilerParams(use_tc_tiling_on_sc=False),
    )(indices_blocked, table)

    x2 = flat.reshape(BATCH, N_P * DIM)
    out_t = pl.pallas_call(
        _ot_body,
        grid=(N_P // PBLK,),
        in_specs=[pl.BlockSpec((BATCH, PBLK * DIM), lambda p: (0, p))],
        out_specs=pl.BlockSpec((PBLK, DIM, BATCH), lambda p: (p, 0, 0)),
        out_shape=jax.ShapeDtypeStruct((N_P, DIM, BATCH), jnp.float32),
    )(x2)
    return out_t


def kernel(indices, weight):
    idx_blocked = indices.reshape(NW, N_BLOCKS, BLOCK)
    out_t = _lookup(idx_blocked, weight)
    return jnp.transpose(out_t, (2, 0, 1))

# --- scband reference (transcript-rebuilt; emitter-appended) ---
"""Pipeline reference for scband-box-geometry-denoiser-1211180777487 (READ-ONLY COPY).

The authoritative reference and input builder live on the scoring server;
editing this copy changes nothing except your own understanding.
"""

import jax, jax.numpy as jnp
import numpy as np

NUM_CLASSES = 1000000
EMBED_DIM = 32


def setup_inputs(seed: int = 0) -> dict:
    key = jax.random.key(seed)
    k1, k2 = jax.random.split(key)
    # Learned embedding table: rows [0, NUM_CLASSES) ~ N(0,1), padding row (last) is zeros,
    # matching nn.Embedding(num_classes + 1, dim, padding_idx=num_classes) with
    # nn.init.normal_(weight[:-1]).
    weight = jax.random.normal(k1, (NUM_CLASSES + 1, EMBED_DIM), dtype=jnp.float32)
    weight = weight.at[NUM_CLASSES].set(0.0)
    indices = jax.random.randint(k2, (4096, 200), 0, NUM_CLASSES + 1, dtype=jnp.int32)
    return {"indices": indices, "weight": weight}


def reference(indices, weight):
    # Faithful to padding_idx semantics: the padding row is forced to zero.
    w = weight.at[NUM_CLASSES].set(jnp.zeros((EMBED_DIM,), dtype=weight.dtype))
    return jnp.take(w, indices, axis=0)

if __name__ == "__main__":
    import jax
    _d = setup_inputs()
    print(jax.jit(kernel)(*tuple(_d.values())))

</pallas_src>

<mosaic_0001>
#map = affine_map<(d0, d1) -> (0, 0, 0)>
#map1 = affine_map<(d0, d1) -> (0, 0)>
module attributes {stable_mosaic.version = 14 : i64} {
  func.func @_sc_body(%arg0: i32, %arg1: i32, %arg2: memref<32x20x1280xi32, #tpu.memory_space<hbm>>, %arg3: memref<1000001x32xf32, #tpu.memory_space<hbm>>, %arg4: memref<819200x32xf32, #tpu.memory_space<hbm>>, %arg5: memref<20x1280xi32, #tpu.memory_space<vmem>>, %arg6: memref<1280x32xf32, #tpu.memory_space<vmem>>, %arg7: memref<1280x32xf32, #tpu.memory_space<vmem>>, %arg8: memref<!tpu.dma_semaphore, #tpu.memory_space<semaphore_mem>>, %arg9: memref<!tpu.dma_semaphore, #tpu.memory_space<semaphore_mem>>) attributes {dimension_semantics = [#tpu.dimension_semantics<core_parallel>, #tpu.dimension_semantics<subcore_parallel>], iteration_bounds = array<i64: 2, 16>, scalar_prefetch = 0 : i64, scratch_operands = 5 : i64, tpu.core_type = #tpu.core_type<sc_vector_subcore>, window_params = [{transform_indices = #map}, {transform_indices = #map1}, {transform_indices = #map1}]} {
    %mul3A = arith.constant 2 : i32
    %mul3A_0 = arith.muli %arg1, %mul3A : i32
    %add3A = arith.addi %mul3A_0, %arg0 : i32
    %mul3A_1 = arith.constant 25600 : i32
    %mul3A_2 = arith.muli %add3A, %mul3A_1 : i32
    "tpu.region"() ({
      %run_scoped3A = tpu.sem_alloc : memref<!tpu.dma_semaphore, #tpu.memory_space<semaphore_mem>>
      %dma_start3A_20 = arith.constant 0 : i32
      %dma_start3A_21 = arith.constant 0 : i32
      %dma_start3A_22 = tpu.memref_slice %arg2[%add3A, %dma_start3A_20, %dma_start3A_21] : memref<32x20x1280xi32, #tpu.memory_space<hbm>> -> memref<1x20x1280xi32, #tpu.memory_space<hbm>>
      %dma_start3A_23 = tpu.memref_squeeze %dma_start3A_22 : memref<1x20x1280xi32, #tpu.memory_space<hbm>> -> memref<20x1280xi32, #tpu.memory_space<hbm>>
      %dma_start3A_24 = arith.constant 0 : i32
      %dma_start3A_25 = arith.constant 0 : i32
      %dma_start3A_26 = tpu.memref_slice %arg2[%add3A, %dma_start3A_24, %dma_start3A_25] : memref<32x20x1280xi32, #tpu.memory_space<hbm>> -> memref<1x20x1280xi32, #tpu.memory_space<hbm>>
      %dma_start3A_27 = tpu.memref_squeeze %dma_start3A_26 : memref<1x20x1280xi32, #tpu.memory_space<hbm>> -> memref<20x1280xi32, #tpu.memory_space<hbm>>
      tpu.enqueue_dma source(%dma_start3A_27 : memref<20x1280xi32, #tpu.memory_space<hbm>>) target(%arg5 : memref<20x1280xi32, #tpu.memory_space<vmem>>) target_semaphore(%run_scoped3A : memref<!tpu.dma_semaphore, #tpu.memory_space<semaphore_mem>>)
      %dma_wait3A = arith.constant 0 : i32
      %dma_wait3A_28 = arith.constant 0 : i32
      %dma_wait3A_29 = tpu.memref_slice %arg2[%add3A, %dma_wait3A, %dma_wait3A_28] : memref<32x20x1280xi32, #tpu.memory_space<hbm>> -> memref<1x20x1280xi32, #tpu.memory_space<hbm>>
      %dma_wait3A_30 = tpu.memref_squeeze %dma_wait3A_29 : memref<1x20x1280xi32, #tpu.memory_space<hbm>> -> memref<20x1280xi32, #tpu.memory_space<hbm>>
      %dma_wait3A_31 = arith.constant 0 : i32
      %dma_wait3A_32 = arith.constant 0 : i32
      %dma_wait3A_33 = tpu.memref_slice %arg2[%add3A, %dma_wait3A_31, %dma_wait3A_32] : memref<32x20x1280xi32, #tpu.memory_space<hbm>> -> memref<1x20x1280xi32, #tpu.memory_space<hbm>>
      %dma_wait3A_34 = tpu.memref_squeeze %dma_wait3A_33 : memref<1x20x1280xi32, #tpu.memory_space<hbm>> -> memref<20x1280xi32, #tpu.memory_space<hbm>>
      tpu.wait_dma2 semaphore(%run_scoped3A : memref<!tpu.dma_semaphore, #tpu.memory_space<semaphore_mem>>) src(%dma_wait3A_34 : memref<20x1280xi32, #tpu.memory_space<hbm>>) dst(%arg5 : memref<20x1280xi32, #tpu.memory_space<vmem>>)
      tpu.yield
    }) : () -> ()
    %dma_start3A = arith.constant 0 : i32
    %dma_start3A_3 = arith.constant 0 : i32
    %dma_start3A_4 = tpu.memref_slice %arg5[%dma_start3A, %dma_start3A_3] : memref<20x1280xi32, #tpu.memory_space<vmem>> -> memref<1x1280xi32, #tpu.memory_space<vmem>>
    %dma_start3A_5 = tpu.memref_squeeze %dma_start3A_4 : memref<1x1280xi32, #tpu.memory_space<vmem>> -> memref<1280xi32, #tpu.memory_space<vmem>>
    %dma_start3A_6 = arith.constant 0 : i32
    %dma_start3A_7 = arith.constant 0 : i32
    %dma_start3A_8 = tpu.memref_slice %arg3[%dma_start3A_6, %dma_start3A_7] : memref<1000001x32xf32, #tpu.memory_space<hbm>> -> memref<1000001x32xf32, #tpu.memory_space<hbm>>
    tpu.enqueue_indirect_dma source(%dma_start3A_8 : memref<1000001x32xf32, #tpu.memory_space<hbm>>) target(%arg6 : memref<1280x32xf32, #tpu.memory_space<vmem>>) offsets(%dma_start3A_5 : memref<1280xi32, #tpu.memory_space<vmem>>) semaphore(%arg8 : memref<!tpu.dma_semaphore, #tpu.memory_space<semaphore_mem>>)
    %dma_start3A_9 = arith.constant 1 : i32
    %dma_start3A_10 = arith.constant 0 : i32
    %dma_start3A_11 = tpu.memref_slice %arg5[%dma_start3A_9, %dma_start3A_10] : memref<20x1280xi32, #tpu.memory_space<vmem>> -> memref<1x1280xi32, #tpu.memory_space<vmem>>
    %dma_start3A_12 = tpu.memref_squeeze %dma_start3A_11 : memref<1x1280xi32, #tpu.memory_space<vmem>> -> memref<1280xi32, #tpu.memory_space<vmem>>
    %dma_start3A_13 = arith.constant 0 : i32
    %dma_start3A_14 = arith.constant 0 : i32
    %dma_start3A_15 = tpu.memref_slice %arg3[%dma_start3A_13, %dma_start3A_14] : memref<1000001x32xf32, #tpu.memory_space<hbm>> -> memref<1000001x32xf32, #tpu.memory_space<hbm>>
    tpu.enqueue_indirect_dma source(%dma_start3A_15 : memref<1000001x32xf32, #tpu.memory_space<hbm>>) target(%arg7 : memref<1280x32xf32, #tpu.memory_space<vmem>>) offsets(%dma_start3A_12 : memref<1280xi32, #tpu.memory_space<vmem>>) semaphore(%arg9 : memref<!tpu.dma_semaphore, #tpu.memory_space<semaphore_mem>>)
    %scan3A = arith.constant 0 : i32
    %scan3A_16 = arith.constant 10 : i32
    %scan3A_17 = arith.addi %scan3A, %scan3A_16 : i32
    %scan3A_18 = arith.constant 1 : i32
    scf.for %scan3A_20 = %scan3A to %scan3A_17 step %scan3A_18  : i32 {
      %mul3A_21 = arith.constant 1 : i32
      %mul3A_22 = arith.muli %scan3A_20, %mul3A_21 : i32
      %add3A_23 = arith.constant 0 : i32
      %add3A_24 = arith.addi %add3A_23, %mul3A_22 : i32
      %mul3A_25 = arith.constant 2 : i32
      %mul3A_26 = arith.muli %add3A_24, %mul3A_25 : i32
      %add3A_27 = arith.constant 0 : i32
      %add3A_28 = arith.addi %mul3A_26, %add3A_27 : i32
      %dma_wait3A = arith.constant 0 : i32
      %dma_wait3A_29 = arith.constant 0 : i32
      %dma_wait3A_30 = tpu.memref_slice %arg3[%dma_wait3A, %dma_wait3A_29] : memref<1000001x32xf32, #tpu.memory_space<hbm>> -> memref<1280x32xf32, #tpu.memory_space<hbm>>
      %dma_wait3A_31 = arith.constant 0 : i32
      %dma_wait3A_32 = arith.constant 0 : i32
      %dma_wait3A_33 = tpu.memref_slice %arg3[%dma_wait3A_31, %dma_wait3A_32] : memref<1000001x32xf32, #tpu.memory_space<hbm>> -> memref<1280x32xf32, #tpu.memory_space<hbm>>
      tpu.wait_dma2 semaphore(%arg8 : memref<!tpu.dma_semaphore, #tpu.memory_space<semaphore_mem>>) src(%dma_wait3A_33 : memref<1280x32xf32, #tpu.memory_space<hbm>>) dst(%arg6 : memref<1280x32xf32, #tpu.memory_space<vmem>>)
      %mul3A_34 = arith.constant 1280 : i32
      %mul3A_35 = arith.muli %add3A_28, %mul3A_34 : i32
      %add3A_36 = arith.addi %mul3A_2, %mul3A_35 : i32
      "tpu.region"() ({
        %run_scoped3A = tpu.sem_alloc : memref<!tpu.dma_semaphore, #tpu.memory_space<semaphore_mem>>
        %dma_start3A_59 = arith.constant 0 : i32
        %dma_start3A_60 = tpu.memref_slice %arg4[%add3A_36, %dma_start3A_59] : memref<819200x32xf32, #tpu.memory_space<hbm>> -> memref<1280x32xf32, #tpu.memory_space<hbm>>
        %dma_start3A_61 = arith.constant 0 : i32
        %dma_start3A_62 = tpu.memref_slice %arg4[%add3A_36, %dma_start3A_61] : memref<819200x32xf32, #tpu.memory_space<hbm>> -> memref<1280x32xf32, #tpu.memory_space<hbm>>
        tpu.enqueue_dma source(%arg6 : memref<1280x32xf32, #tpu.memory_space<vmem>>) target(%dma_start3A_62 : memref<1280x32xf32, #tpu.memory_space<hbm>>) target_semaphore(%run_scoped3A : memref<!tpu.dma_semaphore, #tpu.memory_space<semaphore_mem>>)
        %dma_wait3A_63 = arith.constant 0 : i32
        %dma_wait3A_64 = tpu.memref_slice %arg4[%add3A_36, %dma_wait3A_63] : memref<819200x32xf32, #tpu.memory_space<hbm>> -> memref<1280x32xf32, #tpu.memory_space<hbm>>
        %dma_wait3A_65 = arith.constant 0 : i32
        %dma_wait3A_66 = tpu.memref_slice %arg4[%add3A_36, %dma_wait3A_65] : memref<819200x32xf32, #tpu.memory_space<hbm>> -> memref<1280x32xf32, #tpu.memory_space<hbm>>
        tpu.wait_dma2 semaphore(%run_scoped3A : memref<!tpu.dma_semaphore, #tpu.memory_space<semaphore_mem>>) src(%arg6 : memref<1280x32xf32, #tpu.memory_space<vmem>>) dst(%dma_wait3A_66 : memref<1280x32xf32, #tpu.memory_space<hbm>>)
        tpu.yield
      }) : () -> ()
      %add3A_37 = arith.constant 2 : i32
      %add3A_38 = arith.addi %add3A_28, %add3A_37 : i32
      %lt3A = arith.constant 20 : i32
      %lt3A_39 = arith.cmpi slt, %add3A_38, %lt3A : i32
      %convert_element_type3A = arith.extui %lt3A_39 : i1 to i32
      %cond3A = arith.constant 0 : i32
      %cond3A_40 = arith.cmpi ne, %convert_element_type3A, %cond3A : i32
      scf.if %cond3A_40 {
        %dma_start3A_59 = arith.constant 0 : i32
        %dma_start3A_60 = tpu.memref_slice %arg5[%add3A_38, %dma_start3A_59] : memref<20x1280xi32, #tpu.memory_space<vmem>> -> memref<1x1280xi32, #tpu.memory_space<vmem>>
        %dma_start3A_61 = tpu.memref_squeeze %dma_start3A_60 : memref<1x1280xi32, #tpu.memory_space<vmem>> -> memref<1280xi32, #tpu.memory_space<vmem>>
        %dma_start3A_62 = arith.constant 0 : i32
        %dma_start3A_63 = arith.constant 0 : i32
        %dma_start3A_64 = tpu.memref_slice %arg3[%dma_start3A_62, %dma_start3A_63] : memref<1000001x32xf32, #tpu.memory_space<hbm>> -> memref<1000001x32xf32, #tpu.memory_space<hbm>>
        tpu.enqueue_indirect_dma source(%dma_start3A_64 : memref<1000001x32xf32, #tpu.memory_space<hbm>>) target(%arg6 : memref<1280x32xf32, #tpu.memory_space<vmem>>) offsets(%dma_start3A_61 : memref<1280xi32, #tpu.memory_space<vmem>>) semaphore(%arg8 : memref<!tpu.dma_semaphore, #tpu.memory_space<semaphore_mem>>)
      } else {
      }
      %add3A_41 = arith.constant 1 : i32
      %add3A_42 = arith.addi %mul3A_26, %add3A_41 : i32
      %dma_wait3A_43 = arith.constant 0 : i32
      %dma_wait3A_44 = arith.constant 0 : i32
      %dma_wait3A_45 = tpu.memref_slice %arg3[%dma_wait3A_43, %dma_wait3A_44] : memref<1000001x32xf32, #tpu.memory_space<hbm>> -> memref<1280x32xf32, #tpu.memory_space<hbm>>
      %dma_wait3A_46 = arith.constant 0 : i32
      %dma_wait3A_47 = arith.constant 0 : i32
      %dma_wait3A_48 = tpu.memref_slice %arg3[%dma_wait3A_46, %dma_wait3A_47] : memref<1000001x32xf32, #tpu.memory_space<hbm>> -> memref<1280x32xf32, #tpu.memory_space<hbm>>
      tpu.wait_dma2 semaphore(%arg9 : memref<!tpu.dma_semaphore, #tpu.memory_space<semaphore_mem>>) src(%dma_wait3A_48 : memref<1280x32xf32, #tpu.memory_space<hbm>>) dst(%arg7 : memref<1280x32xf32, #tpu.memory_space<vmem>>)
      %mul3A_49 = arith.constant 1280 : i32
      %mul3A_50 = arith.muli %add3A_42, %mul3A_49 : i32
      %add3A_51 = arith.addi %mul3A_2, %mul3A_50 : i32
      "tpu.region"() ({
        %run_scoped3A = tpu.sem_alloc : memref<!tpu.dma_semaphore, #tpu.memory_space<semaphore_mem>>
        %dma_start3A_59 = arith.constant 0 : i32
        %dma_start3A_60 = tpu.memref_slice %arg4[%add3A_51, %dma_start3A_59] : memref<819200x32xf32, #tpu.memory_space<hbm>> -> memref<1280x32xf32, #tpu.memory_space<hbm>>
        %dma_start3A_61 = arith.constant 0 : i32
        %dma_start3A_62 = tpu.memref_slice %arg4[%add3A_51, %dma_start3A_61] : memref<819200x32xf32, #tpu.memory_space<hbm>> -> memref<1280x32xf32, #tpu.memory_space<hbm>>
        tpu.enqueue_dma source(%arg7 : memref<1280x32xf32, #tpu.memory_space<vmem>>) target(%dma_start3A_62 : memref<1280x32xf32, #tpu.memory_space<hbm>>) target_semaphore(%run_scoped3A : memref<!tpu.dma_semaphore, #tpu.memory_space<semaphore_mem>>)
        %dma_wait3A_63 = arith.constant 0 : i32
        %dma_wait3A_64 = tpu.memref_slice %arg4[%add3A_51, %dma_wait3A_63] : memref<819200x32xf32, #tpu.memory_space<hbm>> -> memref<1280x32xf32, #tpu.memory_space<hbm>>
        %dma_wait3A_65 = arith.constant 0 : i32
        %dma_wait3A_66 = tpu.memref_slice %arg4[%add3A_51, %dma_wait3A_65] : memref<819200x32xf32, #tpu.memory_space<hbm>> -> memref<1280x32xf32, #tpu.memory_space<hbm>>
        tpu.wait_dma2 semaphore(%run_scoped3A : memref<!tpu.dma_semaphore, #tpu.memory_space<semaphore_mem>>) src(%arg7 : memref<1280x32xf32, #tpu.memory_space<vmem>>) dst(%dma_wait3A_66 : memref<1280x32xf32, #tpu.memory_space<hbm>>)
        tpu.yield
      }) : () -> ()
      %add3A_52 = arith.constant 2 : i32
      %add3A_53 = arith.addi %add3A_42, %add3A_52 : i32
      %lt3A_54 = arith.constant 20 : i32
      %lt3A_55 = arith.cmpi slt, %add3A_53, %lt3A_54 : i32
      %convert_element_type3A_56 = arith.extui %lt3A_55 : i1 to i32
      %cond3A_57 = arith.constant 0 : i32
      %cond3A_58 = arith.cmpi ne, %convert_element_type3A_56, %cond3A_57 : i32
      scf.if %cond3A_58 {
        %dma_start3A_59 = arith.constant 0 : i32
        %dma_start3A_60 = tpu.memref_slice %arg5[%add3A_53, %dma_start3A_59] : memref<20x1280xi32, #tpu.memory_space<vmem>> -> memref<1x1280xi32, #tpu.memory_space<vmem>>
        %dma_start3A_61 = tpu.memref_squeeze %dma_start3A_60 : memref<1x1280xi32, #tpu.memory_space<vmem>> -> memref<1280xi32, #tpu.memory_space<vmem>>
        %dma_start3A_62 = arith.constant 0 : i32
        %dma_start3A_63 = arith.constant 0 : i32
        %dma_start3A_64 = tpu.memref_slice %arg3[%dma_start3A_62, %dma_start3A_63] : memref<1000001x32xf32, #tpu.memory_space<hbm>> -> memref<1000001x32xf32, #tpu.memory_space<hbm>>
        tpu.enqueue_indirect_dma source(%dma_start3A_64 : memref<1000001x32xf32, #tpu.memory_space<hbm>>) target(%arg7 : memref<1280x32xf32, #tpu.memory_space<vmem>>) offsets(%dma_start3A_61 : memref<1280xi32, #tpu.memory_space<vmem>>) semaphore(%arg9 : memref<!tpu.dma_semaphore, #tpu.memory_space<semaphore_mem>>)
      } else {
      }
    }
    %scan3A_19 = arith.constant 10 : i32
    return
  }
}

module attributes {stable_mosaic.version = 14 : i64} {
  func.func @_ot_body(%arg0: i32, %arg1: memref<4096x128xf32, #tpu.memory_space<vmem>>, %arg2: memref<4x32x4096xf32, #tpu.memory_space<vmem>>) attributes {dimension_semantics = [#tpu.dimension_semantics<arbitrary>], iteration_bounds = array<i64: 50>, scalar_prefetch = 0 : i64, scratch_operands = 0 : i64, tpu.core_type = #tpu.core_type<tc>, window_params = [{transform_indices = @transform_0, window_bounds = array<i64: 4096, 128>}, {transform_indices = @transform_1, window_bounds = array<i64: 4, 32, 4096>}]} {
    %get3A = arith.constant 0 : index
    %get3A_0 = arith.constant 0 : index
    %get3A_1 = vector.load %arg1[%get3A, %get3A_0] : memref<4096x128xf32, #tpu.memory_space<vmem>>, vector<4096x128xf32>
    %transpose3A = tpu.transpose %get3A_1, [1, 0] : vector<4096x128xf32> -> vector<128x4096xf32>
    %reshape3A = vector.shape_cast %transpose3A : vector<128x4096xf32> to vector<4x32x4096xf32>
    %swap3A = arith.constant 0 : index
    %swap3A_2 = arith.constant 0 : index
    %swap3A_3 = arith.constant 0 : index
    %swap3A_4 = vector.load %arg2[%swap3A, %swap3A_2, %swap3A_3] : memref<4x32x4096xf32, #tpu.memory_space<vmem>>, vector<4x32x4096xf32>
    tpu.vector_store %arg2[%swap3A, %swap3A_2, %swap3A_3], %reshape3A {strides = array<i32>} : memref<4x32x4096xf32, #tpu.memory_space<vmem>>, vector<4x32x4096xf32>,
    return
  }
  func.func @transform_0(%arg0: i32) -> (i32, i32) {
    %c0_i32 = arith.constant 0 : i32
    %c0_i32_0 = arith.constant 0 : i32
    return %c0_i32, %arg0 : i32, i32
  }
  func.func @transform_1(%arg0: i32) -> (i32, i32, i32) {
    %c0_i32 = arith.constant 0 : i32
    %c0_i32_0 = arith.constant 0 : i32
    %c0_i32_1 = arith.constant 0 : i32
    return %arg0, %c0_i32, %c0_i32_0 : i32, i32, i32
  }
}

</mosaic_0001>

<sc_bundles>
// kernel: _lookup.4.cloned.1.call-start
scs
__scs_entry_jumppad:
0x0: {  	(pc) =	sbr.rel $0x88, $3  }
0x1: {  	(tag) =	ssettag $0x0;
	lr =	simm.s32 $0x1  }
0x2: {  	[smem:$0x3F9F] =	sst lr;
	_ =	strace $0xD0000000  }
0x3: {  	_ = 	snop  }
0x4: {  	_ = 	snop  }
0x5: {  	_ = 	snop  }
0x6: {  	_ = 	snop  }
0x7: {  	_ = 	snop  }
__scs_overlays_trampoline_lowered:
0x8: {  	[smem:$0x3FAE] =	sst s0  }
0x9: {  	[smem:$0x3FAF] =	sst s1  }
0xa: {  	[smem:$0x3FB0] =	sst s2  }
0xb: {  	[smem:$0x3FB1] =	sst s3  }
0xc: {  	[smem:$0x3FB2] =	sst s4  }
0xd: {  	[smem:$0x3FB3] =	sst s5  }
0xe: {  	[smem:$0x3FB4] =	sst s6  }
0xf: {  	[smem:$0x3FB5] =	sst s7  }
0x10: {  	[smem:$0x3FB6] =	sst s8  }
0x11: {  	[smem:$0x3FB7] =	sst s9;
	s0 =	simm.s32 @!p0 $0x0  }
0x12: {  	s1 =	sld [smem:$0x3F9D];
	s0 =	simm.s32 @p0 $0x1  }
0x13: {  	[smem:$0x3FB8] =	sst s0;
	s0 =	simm.s32 @!p1 $0x0  }
0x14: {  	s2 =	sld [smem:$0x3F9C];
	s0 =	simm.s32 @p1 $0x1  }
0x15: {  	[smem:$0x3FB9] =	sst s0;
	s0 =	simm.s32 @!p2 $0x0  }
0x16: {  	s3 =	sld [smem:$0x3FDB];
	s0 =	simm.s32 @p2 $0x1  }
0x17: {  	s4 =	simm.s32 $0x1BF5;
	[smem:$0x3FBB] =	sst s0  }
0x18: {  	s0 =	sld [smem:$0x3F9E];
	_ =	swait.ge [sflag:s4], $0x0  }
0x19: {  	s7 =	sld [smem:$0x3F9F]  }
0x1a: {  	s8 =	sadd.s32 $0xFFFFE003, lr  }
0x1b: {  	s9 =	sadd.s32 $0xFFFFFEF7, lr;
	s5 =	simm.s32 $0xFFFFFFFF;
	p2 =	slt.u32 s8, $0xFFFFF086  }
0x1c: {  	p1 =	slt.u32 s9, $0xF7A;
	s5 =	simm.s32 @!p2 $0x0  }
0x1d: {  	s5 =	simm.s32 @p1 $0x1;
	p0 =	seq.s32 s7, s2  }
0x1e: {  	s7 =	smul.u32 @!p0 $0xF7A, s2;
	p2 =	seq.s32 @!p0 s5, $0x0  }
0x1f: {  	s9 =	smul.u32 $0xF7A, s1;
	s8 =	simm.s32 @!p0 $0x1BF5;
	p2 =	por !p2, p0  }
0x20: {  	[sflag:s8] =	ssyncset.s32 @!p0 $0xFFFFF086;
	s6 =	sadd.s32 @!p0 s3, s7;
	s7 =	simm.s32 @!p0 $0x108  }
0x21: {  	s3 =	sadd.s32 s3, s9;
	s6 =	sadd.s32 @!p0 $0x88, s6;
	s7 =	simm.s32 @p2 $0x1082  }
0x22: {  	[simem:s7], [sflag:s8] =	dma.local @!p0 [hbm:s6], $0xF7A  }
0x23: {  	s9 =	sor.u32 $0xD0000000, s2;
	s6 =	simm.s32 $0x108;
	_ =	swait.ge @!p0 [sflag:s8], $0x0  }
0x24: {  	s3 =	sadd.s32 $0x88, s3;
	s6 =	simm.s32 @!p1 $0x1082;
	[sflag:s4] =	ssyncset.s32 $0xFFFFF086  }
0x25: {  	[simem:s6], [sflag:s4] =	dma.local [hbm:s3], $0xF7A  }
0x26: {  	[smem:$0x3F9F] =	sst s1;
	(tag) =	ssettag s2;
	_ =	strace s9  }
0x27: {  	s1 =	sld [smem:$0x3FAF]  }
0x28: {  	s2 =	sld [smem:$0x3FB0]  }
0x29: {  	s4 =	sld [smem:$0x3FB2]  }
0x2a: {  	p0 =	seq.s32 s5, $0x0;
	s5 =	sld [smem:$0x3FB3]  }
0x2b: {  	s6 =	sld [smem:$0x3FB4]  }
0x2c: {  	s7 =	sld [smem:$0x3FB5]  }
0x2d: {  	s3 =	simm.s32 $0x108;
	s8 =	sld [smem:$0x3FB6]  }
0x2e: {  	s3 =	simm.s32 @!p0 $0x1082;
	s9 =	sld [smem:$0x3FB7]  }
0x2f: {  	lr =	sadd.s32 s0, s3;
	s0 =	sld [smem:$0x3FAE]  }
0x30: {  	s3 =	sld [smem:$0x3FB1]  }
0x31: {  	[smem:$0x3FBA] =	sst s10  }
0x32: {  	s10 =	sld [smem:$0x3FB8];
	_ =	sdelay $0x3  }
0x33: {  	p0 =	seq.s32 s10, $0x1;
	s10 =	sld [smem:$0x3FBA];
	_ =	sdelay $0x3  }
0x34: {  	[smem:$0x3FBA] =	sst s10  }
0x35: {  	s10 =	sld [smem:$0x3FB9];
	_ =	sdelay $0x3  }
0x36: {  	p1 =	seq.s32 s10, $0x1;
	s10 =	sld [smem:$0x3FBA];
	_ =	sdelay $0x3  }
0x37: {  	[smem:$0x3FBA] =	sst s10  }
0x38: {  	s10 =	sld [smem:$0x3FBB]  }
0x39: {  	_ = 	snop;
	(pc) =	sbr.ind lr, $3  }
0x3a: {  	_ = 	snop  }
0x3b: {  	_ = 	snop  }
0x3c: {  	p2 =	seq.s32 s10, $0x1;
	s10 =	sld [smem:$0x3FBA]  }
0x3d: {  	_ =	shalt  }
0x3e: {  	_ =	shalt  }
0x3f: {  	_ =	shalt  }
0x40: {  	_ =	shalt  }
0x41: {  	_ =	shalt  }
0x42: {  	_ =	shalt  }
0x43: {  	_ =	shalt  }
0x44: {  	_ =	shalt  }
0x45: {  	_ =	shalt  }
0x46: {  	_ =	shalt  }
0x47: {  	_ =	shalt  }
0x48: {  	_ =	shalt  }
0x49: {  	_ =	shalt  }
0x4a: {  	_ =	shalt  }
0x4b: {  	_ =	shalt  }
0x4c: {  	_ =	shalt  }
0x4d: {  	_ =	shalt  }
0x4e: {  	_ =	shalt  }
0x4f: {  	_ =	shalt  }
0x50: {  	_ =	shalt  }
0x51: {  	_ =	shalt  }
0x52: {  	_ =	shalt  }
0x53: {  	_ =	shalt  }
0x54: {  	_ =	shalt  }
0x55: {  	_ =	shalt  }
0x56: {  	_ =	shalt  }
0x57: {  	_ =	shalt  }
0x58: {  	_ =	shalt  }
0x59: {  	_ =	shalt  }
0x5a: {  	_ =	shalt  }
0x5b: {  	_ =	shalt  }
0x5c: {  	_ =	shalt  }
0x5d: {  	_ =	shalt  }
0x5e: {  	_ =	shalt  }
0x5f: {  	_ =	shalt  }
0x60: {  	_ =	shalt  }
0x61: {  	_ =	shalt  }
0x62: {  	_ =	shalt  }
0x63: {  	_ =	shalt  }
0x64: {  	_ =	shalt  }
0x65: {  	_ =	shalt  }
0x66: {  	_ =	shalt  }
0x67: {  	_ =	shalt  }
0x68: {  	_ =	shalt  }
0x69: {  	_ =	shalt  }
0x6a: {  	_ =	shalt  }
0x6b: {  	_ =	shalt  }
0x6c: {  	_ =	shalt  }
0x6d: {  	_ =	shalt  }
0x6e: {  	_ =	shalt  }
0x6f: {  	_ =	shalt  }
0x70: {  	_ =	shalt  }
0x71: {  	_ =	shalt  }
0x72: {  	_ =	shalt  }
0x73: {  	_ =	shalt  }
0x74: {  	_ =	shalt  }
0x75: {  	_ =	shalt  }
0x76: {  	_ =	shalt  }
0x77: {  	_ =	shalt  }
0x78: {  	_ =	shalt  }
0x79: {  	_ =	shalt  }
0x7a: {  	_ =	shalt  }
0x7b: {  	_ =	shalt  }
0x7c: {  	_ =	shalt  }
0x7d: {  	_ =	shalt  }
0x7e: {  	_ =	shalt  }
0x7f: {  	_ =	shalt  }
0x80: {  	_ =	shalt  }
0x81: {  	_ =	shalt  }
0x82: {  	_ =	shalt  }
0x83: {  	_ =	shalt  }
0x84: {  	_ =	shalt  }
0x85: {  	_ =	shalt  }
0x86: {  	_ =	shalt  }
0x87: {  	_ =	shalt  }
.Lfunc_end0:
.L_simem_size_0:
called_computation_lowered:
.L_overlay_start_0:
0x88: {  	s2 =	sld [smem:$0x3FD9]  }
0x89: {  	s3 =	sld [smem:$0x3FFE];
	_ =	sdelay $0x1  }
0x8a: {  	s1 =	srdreg.scid  }
0x8b: {  	s0 =	sand.u32 $0x1, s1  }
0x8c: {  	s17 =	sshll.u32 s0, $0xA;
	s2 =	sadd.s32 s3, s2  }
0x8d: {  	s2 =	sadd.s32 s2, s17  }
0x8e: {  	[smem:$0x3FC6] =	sst s2  }
0x8f: {  	_ = 	snop  }
0x90: {  	s2 =	sld [smem:$0x3FD0];
	(tm) =	ssettm $0x1  }
0x91: {  	s18 =	sld [smem:$0x3FFB];
	_ =	sdelay $0x3  }
0x92: {  	_ =	strace s18  }
0x93: {  	s3 =	sld [smem:$0x3FFC];
	_ =	sdelay $0x3  }
0x94: {  	_ =	strace s3  }
0x95: {  	s3 =	sld [smem:$0x3FFD];
	_ =	sdelay $0x3  }
0x96: {  	_ =	strace s3  }
0x97: {  	_ =	strace $0x8FFFFFFF  }
0x98: {  	s19 =	sld [smem:$0x3FDB];
	_ =	sdelay $0x1  }
0x99: {  	s4 =	simm.s32 $_scs_section_size  }
0x9a: {  	s5 =	simm.s32 $_size__tile_overlayer_lowered;
	s6 =	simm.s32 $_tile_overlayer_lowered  }
0x9b: {  	s22 =	simm.s32 $0x1BFF;
	s21 =	sshll.u32 s6, $0x1;
	s3 =	sadd.s32 s4, s19  }
0x9c: {  	s7 =	simm.s32 $0x0;
	s20 =	sshll.u32 s5, $0x1;
	s5 =	sadd.s32 s21, s3  }
0x9d: {  	[timem:s7], [sflag:s22] =	dma.local [hbm:s5], s20  }
0x9e: {  	_ =	swait.ge [sflag:s22], s20  }
0x9f: {  	s4 =	ssub.s32 $0x0, s20;
	[sflag:s22] =	ssyncset.done $0x0  }
0xa0: {  	[sflag:s22] =	ssyncadd.s32 s4;
	_ =	sdelay $0x1  }
0xa1: {  	s23 =	simm.s32 $0x1B8B  }
0xa2: {  	_ =	swait.ge [sflag:s23], $0x1  }
0xa3: {  	[sflag:s23] =	ssyncset.done $0x0  }
0xa4: {  	s25 =	simm.s32 $0x1B8E;
	s24 =	sld [smem:$0x3FFE];
	[sflag:s23] =	ssyncadd.s32 $0xFFFFFFFF  }
0xa5: {  	s26 =	simm.s32 $execute0_lowered;
	[smem:$0x3FD2] =	sst s25  }
0xa6: {  	s5 =	sshll.u32 s26, $0x1;
	_ =	strace $0x80000046;
	[dreg:$0x1] =	wrdreg $0xFFFFFFFF  }
0xa7: {  	s28 =	simm.s32 $_size_execute0_lowered;
	s3 =	sadd.s32 s3, s5;
	[dreg:$0x0] =	wrdreg $0x0  }
0xa8: {  	s5 =	sshll.u32 s28, $0x1;
	[dreg:$0x2] =	wrdreg s3  }
0xa9: {  	[dreg:$0x3] =	wrdreg s5  }
0xaa: {  	[dreg:$0x4] =	wrdreg $0xC0  }
0xab: {  	_ =	task [dreg:s7], $0x5FFFF  }
0xac: {  	[dreg:$0x1] =	wrdreg $0xFFFFFFFF  }
0xad: {  	[dreg:$0x0] =	wrdreg $0x60  }
0xae: {  	[dreg:$0x2] =	wrdreg s24  }
0xaf: {  	[dreg:$0x3] =	wrdreg s2  }
0xb0: {  	[dreg:$0x4] =	wrdreg $0x9  }
0xb1: {  	_ =	task.clear_ibuf [dreg:s7], $0x5FFFF;
	_ =	strace $0x90000046  }
0xb2: {  	s29 =	simm.s32 $0x9;
	_ =	strace $0x80000048  }
0xb3: {  	_ =	swait.ge [sflag:s29], $0x1  }
0xb4: {  	[sflag:s29] =	ssyncadd.s32 $0xFFFFFFFF  }
0xb5: {  	_ =	strace $0x90000048  }
0xb6: {  	_ =	sfence  }
0xb7: {  	s30 =	sld [smem:$0x0];
	_ =	sdelay $0x2  }
0xb8: {  	s31 =	sshll.u32 s1, $0xD;
	s1 =	sshrl.u32 s1, $0x2  }
0xb9: {  	s3 =	sand.u32 $0x4000, s31;
	s1 =	sadd.s32 s1, s30  }
0xba: {  	s0 =	sor.u32 s3, s0;
	s1 =	sshll.u32 s1, $0x11  }
0xbb: {  	s0 =	sor.u32 s1, s0  }
0xbc: {  	s0 =	sadd.s32 $0x8F2B, s0  }
0xbd: {  	[sflag:s0] =	ssyncadd.remote.s32 $0x1  }
0xbe: {  	_ =	sfence.sel $0xFFFF  }
0xbf: {  	[dreg:$0x0] =	wrdreg $0xFFFFFFFF;
	(pc) =	sbr.abs _section_cstart, $3  }
0xc0: {  	[dreg:$0x1] =	wrdreg $0xFFFFFFFF  }
0xc1: {  	_ =	task.clear_ibuf [dreg:s7], $0x2FFFF;
	_ =	strace $0x9FFFFFFF  }
0xc2: {  	(tm) =	ssettm $0x7FFFFFFF  }
0xc3: {  	_ =	shalt  }
tec
execute0_lowered:
.L_overlay_start_1:
0x0: {  	(tag) =	ssettag $0x1  }
0x1: {  	s3 =	rddreg [dreg:$0x0];
	s1 =	srdreg.scid  }
0x2: {  	s0 =	stileid.u32;
	s8 =	rddreg [dreg:$0x1];
	s2 =	simm.s32 $0x0  }
0x3: {  	s13 =	simm.s32 $0x10400;
	s14 =	simm.s32 $0x1;
	s10 =	smul.u32 $0xC800, s0  }
0x4: {  	s15 =	simm.s32 $0x2;
	s7 =	sand.u32 $0x1, s1;
	s11 =	smul.u32 $0x32000, s0  }
0x5: {  	s16 =	simm.s32 $0x0;
	s4 =	sshll.u32 s0, $0x1;
	s29 =	smul.u32 $0x6400, s7  }
0x6: {  	s1 =	rddreg [dreg:$0x2];
	s4 =	sor.u32 s7, s4;
	s12 =	smul.u32 $0x19000, s7  }
0x7: {  	[smem:$0x7FF] =	sst s2;
	s6 =	ssub.s32 $0x2, s7;
	s5 =	smul.u32 $0x6400, s4  }
0x8: {  	_ =	strace $0x80000047;
	s9 =	smul.u32 $0x19000, s4;
	s28 =	sshrl.u32 s6, $0x1  }
0x9: {  	s31 =	sadd.s32 s11, s8;
	s11 =	simm.s32 $0x500;
	s10 =	sadd.s32 s29, s10  }
0xa: {  	s26 =	sshrl.u32 s5, $0x3;
	s5 =	ssub.s32 s6, s28;
	s9 =	sadd.s32 s8, s9  }
0xb: {  	s10 =	sshll.u32 s10, $0x2;
	s4 =	sadd.s32 s26, s3;
	s3 =	sadd.s32 $0xF42C00, s3  }
0xc: {  	s5 =	smax.u32 s5, $0x1;
	s6 =	sadd.s32 $0x16800, s9;
	s7 =	sadd.s32 $0x17C00, s9  }
0xd: {  	s30 =	sadd.s32 s8, s10;
	s9 =	sadd.s32 s12, s31;
	s10 =	simm.s32 $0x3  }
0xe: {  	s12 =	simm.s32 $0x6400;
	s4 =	sadd.s32 $0x600, s4;
	s8 =	sadd.s32 $0x1400, s30  }
.LBB2_1:
0xf: {  	[tilespmem:s2], [sflag:$0x3] =	stream.linear.gather [hbm4b:s4+s2], $0x6400, $0x38;
	[tilespmem:$0x1A400] =	vst v63  }
0x10: {  	_ =	swait.ge [sflag:s10], $0x6400  }
0x11: {  	[sflag:s10] =	ssyncset.done $0x0  }
0x12: {  	[sflag:s10] =	ssyncadd.s32 $0xFFFF9C00  }
0x13: {  	[tilespmem:s12], [sflag:$0x1] =	stream.indirect.gather [hbm4b:s3+s11], $0x20, s2, s11, $0xb8;
	[tilespmem:$0x1A400] =	vst v63  }
0x14: {  	_ = 	snop  }
0x15: {  	[tilespmem:s13], [sflag:$0x2] =	stream.indirect.gather [hbm4b:s3+s11], $0x20, s11, s11, $0xb8;
	[tilespmem:$0x1A400] =	vst v63  }
0x16: {  	_ =	swait.ge [sflag:s14], $0xA000  }
0x17: {  	[sflag:s14] =	ssyncset.done $0x0  }
0x18: {  	s17 =	sadd.s32 $0x0, s9;
	[sflag:s14] =	ssyncadd.s32 $0xFFFF6000  }
0x19: {  	[hbm4b:s17+s2] =	stream.linear.scatter [tilespmem:s12], [sflag:$0x3], $0xA000, $0x38;
	[tilespmem:$0x1A400] =	vst v63  }
0x1a: {  	_ =	swait.ge [sflag:s10], $0xA000  }
0x1b: {  	[sflag:s10] =	ssyncset.done $0x0  }
0x1c: {  	s30 =	simm.s32 $0xA00;
	[sflag:s10] =	ssyncadd.s32 $0xFFFF6000  }
0x1d: {  	[tilespmem:s12], [sflag:$0x1] =	stream.indirect.gather [hbm4b:s3+s11], $0x20, s30, s11, $0xb8;
	[tilespmem:$0x1A400] =	vst v63  }
0x1e: {  	_ =	swait.ge [sflag:s15], $0xA000  }
0x1f: {  	[sflag:s15] =	ssyncset.done $0x0  }
0x20: {  	s31 =	sadd.s32 $0x0, s8;
	[sflag:s15] =	ssyncadd.s32 $0xFFFF6000  }
0x21: {  	[hbm4b:s31+s2] =	stream.linear.scatter [tilespmem:s13], [sflag:$0x3], $0xA000, $0x38;
	[tilespmem:$0x1A400] =	vst v63  }
0x22: {  	_ =	swait.ge [sflag:s10], $0xA000  }
0x23: {  	[sflag:s10] =	ssyncset.done $0x0  }
0x24: {  	s18 =	simm.s32 $0xF00;
	s17 =	simm.s32 $0x2800;
	[sflag:s10] =	ssyncadd.s32 $0xFFFF6000  }
.LBB2_2:
0x25: {  	[tilespmem:s13], [sflag:$0x2] =	stream.indirect.gather [hbm4b:s3+s11], $0x20, s18, s11, $0xb8;
	[tilespmem:$0x1A400] =	vst v63  }
0x26: {  	s18 =	smov.u32 s17  }
0x27: {  	p0 =	sne.s32 s17, $0x14000;
	s17 =	sadd.s32 $0x2800, s17;
	_ =	swait.ge [sflag:s14], $0xA000  }
0x28: {  	[sflag:s14] =	ssyncset.done $0x0  }
0x29: {  	s19 =	sadd.s32 s18, s9;
	[sflag:s14] =	ssyncadd.s32 $0xFFFF6000  }
0x2a: {  	[hbm4b:s19+s2] =	stream.linear.scatter [tilespmem:s12], [sflag:$0x3], $0xA000, $0x38;
	[tilespmem:$0x1A400] =	vst v63  }
0x2b: {  	_ =	swait.ge [sflag:s10], $0xA000  }
0x2c: {  	s19 =	sshra.s32 s18, $0x2;
	[sflag:s10] =	ssyncset.done $0x0  }
0x2d: {  	s20 =	sadd.s32 $0xA00, s19;
	[sflag:s10] =	ssyncadd.s32 $0xFFFF6000  }
0x2e: {  	[tilespmem:s12], [sflag:$0x1] =	stream.indirect.gather [hbm4b:s3+s11], $0x20, s20, s11, $0xb8;
	[tilespmem:$0x1A400] =	vst v63  }
0x2f: {  	_ =	swait.ge [sflag:s15], $0xA000  }
0x30: {  	[sflag:s15] =	ssyncset.done $0x0  }
.Ltmp0:
0x31: {  	s18 =	sadd.s32 s18, s8;
	[sflag:s15] =	ssyncadd.s32 $0xFFFF6000;
	(pc) =	sbr.rel @p0 .LBB2_2-.Ltmp0, $4  }
0x32: {  	[hbm4b:s18+s2] =	stream.linear.scatter [tilespmem:s13], [sflag:$0x3], $0xA000, $0x38;
	[tilespmem:$0x1A400] =	vst v63  }
0x33: {  	_ =	swait.ge [sflag:s10], $0xA000  }
0x34: {  	[sflag:s10] =	ssyncset.done $0x0  }
0x35: {  	s18 =	sadd.s32 $0xF00, s19;
	[sflag:s10] =	ssyncadd.s32 $0xFFFF6000  }
0x36: {  	[tilespmem:s13], [sflag:$0x2] =	stream.indirect.gather [hbm4b:s3+s11], $0x20, s18, s11, $0xb8;
	[tilespmem:$0x1A400] =	vst v63  }
0x37: {  	_ =	swait.ge [sflag:s14], $0xA000  }
0x38: {  	[sflag:s14] =	ssyncset.done $0x0  }
0x39: {  	[sflag:s14] =	ssyncadd.s32 $0xFFFF6000  }
0x3a: {  	[hbm4b:s6+s2] =	stream.linear.scatter [tilespmem:s12], [sflag:$0x3], $0xA000, $0x38;
	[tilespmem:$0x1A400] =	vst v63  }
0x3b: {  	_ =	swait.ge [sflag:s10], $0xA000  }
0x3c: {  	[sflag:s10] =	ssyncset.done $0x0  }
0x3d: {  	[sflag:s10] =	ssyncadd.s32 $0xFFFF6000  }
0x3e: {  	s16 =	sadd.s32 $0x1, s16;
	_ =	swait.ge [sflag:s15], $0xA000  }
0x3f: {  	p0 =	sne.s32 s16, s5;
	[sflag:s15] =	ssyncset.done $0x0  }
.Ltmp1:
0x40: {  	[sflag:s15] =	ssyncadd.s32 $0xFFFF6000;
	(pc) =	sbr.rel @p0 .LBB2_1-.Ltmp1, $4  }
0x41: {  	[hbm4b:s7+s2] =	stream.linear.scatter [tilespmem:s13], [sflag:$0x3], $0xA000, $0x38;
	[tilespmem:$0x1A400] =	vst v63  }
0x42: {  	_ =	swait.ge [sflag:s10], $0xA000  }
0x43: {  	[sflag:s10] =	ssyncset.done $0x0  }
0x44: {  	[sflag:s10] =	ssyncadd.s32 $0xFFFF6000  }
0x45: {  	_ =	sfence.sel $0x180000  }
0x46: {  	[bflag:$0x0] =	sbarrier.arrive $0xFFFF  }
0x47: {  	p0 =	sne.s32 s0, $0x0;
	_ =	strace $0x90000047  }
0x48: {  	s0 =	sadd.s32 @!p0 $0x100000, s1;
	[bflag:$0x2] =	sbarrier.arrive $0xFFFF  }
0x49: {  	[sflag:s0] =	ssyncadd.tile.s32 @!p0 $0x1;
	_ =	shalt  }
.Lfunc_end2:
_tile_overlayer_lowered:
.L_overlay_start_2:
0x4a: {  	(tag) =	ssettag $0x2  }
0x4b: {  	s0 =	rddreg [dreg:$0x0];
	s2 =	stileid.u32  }
0x4c: {  	s1 =	rddreg [dreg:$0x1];
	p0 =	sne.s32 s2, $0x0  }
0x4d: {  	s3 =	rddreg [dreg:$0x2];
	[bflag:$0x3] =	sbarrier.arrive $0xFFFF;
	s2 =	simm.s32 @!p0 $0x1C03  }
0x4e: {  	[timem:s3], [sflag:s2] =	dma.local @!p0 [hbm:s0], s1  }
0x4f: {  	s0 =	simm.s32 @!p0 $0x3  }
0x50: {  	_ =	swait.ge @!p0 [sflag:s0], s1  }
0x51: {  	s1 =	ssub.s32 @!p0 $0x0, s1;
	[sflag:s0] =	ssyncset.done @!p0 $0x0  }
0x52: {  	[sflag:s0] =	ssyncadd.s32 @!p0 s1  }
0x53: {  	[bflag:$0x3] =	sbarrier.arrive $0xFFFF  }
0x54: {  	_ =	shalt  }

</sc_bundles>
